<compile_context>
chip_gen: v7x
topology: tpu7x:2x2x1
jax: 0.10.2.dev20260603
libtpu: 0.0.44.dev20260713+nightly
codegen_flags: <defaults>
</compile_context>

<pallas_src>
import jax
import jax.numpy as jnp
from jax.experimental import pallas as pl
from jax.experimental.pallas import tpu as pltpu

N_TOK = 8192
D_MODEL = 2048
BLOCK_M = 512


def _matvec_bias_kernel(x_ref, w_ref, b_ref, o_ref):
    o_ref[:] = (
        jnp.dot(x_ref[:], w_ref[:], preferred_element_type=jnp.float32)
        + b_ref[0, 0]
    )


def kernel(X, W_g, b_g, W_e, b_e):
    B = X.shape[0]
    D = X.shape[-1]
    x2d = X.reshape(B, D)
    b2d = b_e.reshape(1, 1)
    grid = (B // BLOCK_M,)
    return pl.pallas_call(
        _matvec_bias_kernel,
        grid=grid,
        in_specs=[
            pl.BlockSpec((BLOCK_M, D), lambda i: (i, 0)),
            pl.BlockSpec((D, 1), lambda i: (0, 0)),
            pl.BlockSpec((1, 1), lambda i: (0, 0)),
        ],
        out_specs=pl.BlockSpec((BLOCK_M, 1), lambda i: (i, 0)),
        out_shape=jax.ShapeDtypeStruct((B, 1), X.dtype),
        compiler_params=pltpu.CompilerParams(
            dimension_semantics=("parallel",),
        ),
    )(x2d, W_e, b2d)

# --- scband reference (transcript-rebuilt; emitter-appended) ---
"""Pipeline reference for scband-moepred-42863773614422 (READ-ONLY COPY).

The authoritative reference and input builder live on the scoring server;
editing this copy changes nothing except your own understanding.
"""

import jax, jax.numpy as jnp
import numpy as np

NUM_EXPERTS = 16
TOP_K = 2
D_MODEL = 2048
N_TOK = 8192


def setup_inputs(seed: int = 0):
    key = jax.random.key(seed)
    ks = jax.random.split(key, 4)
    X = jax.random.normal(ks[0], (N_TOK, 1, D_MODEL), dtype=jnp.float32)
    # gate: Linear(d_model, num_experts), weight init normal(0, 0.001)
    W_g = jax.random.normal(ks[1], (D_MODEL, NUM_EXPERTS), dtype=jnp.float32) * 0.001
    b_g = jnp.zeros((NUM_EXPERTS,), dtype=jnp.float32)
    # shared expert layer: Flatten + Linear(d_model, 1) (same instance for every expert)
    W_e = jax.random.normal(ks[2], (D_MODEL, 1), dtype=jnp.float32) * (1.0 / np.sqrt(D_MODEL))
    b_e = jnp.zeros((1,), dtype=jnp.float32)
    return {"X": X, "W_g": W_g, "b_g": b_g, "W_e": W_e, "b_e": b_e}


def reference(X, W_g, b_g, W_e, b_e):
    B = X.shape[0]
    # gate = Linear + Softmax
    gate_logits = jnp.einsum('bsd,de->bse', X, W_g) + b_g
    gate_out = jax.nn.softmax(gate_logits, axis=-1)
    # gate_scores = gate(X).topk(k)[1]  -> INDICES tensor (faithful to original bug)
    _, gate_scores = jax.lax.top_k(gate_out, TOP_K)  # int indices [B,1,K]
    # second topk over the index tensor itself
    top_k_scores, top_k_indices = jax.lax.top_k(gate_scores, TOP_K)
    # softmax over the (integer) top-k scores; promote to float as jnp does
    weights = jax.nn.softmax(top_k_scores.astype(jnp.float32), axis=-1)
    flat_idx = top_k_indices.reshape(-1)          # [B*K] (S == 1)
    flat_w = weights.reshape(-1)                  # [B*K]
    batch_idx = jnp.repeat(jnp.arange(B), TOP_K)  # [B*K]
    # expert input: gather selected token rows, Flatten -> [B*K, d]
    expert_in = X[batch_idx].reshape(B * TOP_K, -1)
    final_output = jnp.zeros((B, 1), dtype=X.dtype)
    for i in range(NUM_EXPERTS):
        mask = (flat_idx == i).astype(X.dtype)
        expert_out = expert_in @ W_e + b_e            # shared expert weights
        contrib = expert_out * flat_w[:, None] * mask[:, None]
        final_output = final_output.at[batch_idx].add(contrib)  # index_add_
    return final_output

if __name__ == "__main__":
    import jax
    _d = setup_inputs()
    print(jax.jit(kernel)(*tuple(_d.values())))

</pallas_src>

<mosaic_0001>
module attributes {stable_mosaic.version = 14 : i64} {
  func.func @_matvec_bias_kernel(%arg0: i32, %arg1: memref<512x2048xf32, #tpu.memory_space<vmem>>, %arg2: memref<2048x1xf32, #tpu.memory_space<vmem>>, %arg3: memref<1x1xf32, #tpu.memory_space<vmem>>, %arg4: memref<512x1xf32, #tpu.memory_space<vmem>>) attributes {dimension_semantics = [#tpu.dimension_semantics<parallel>], iteration_bounds = array<i64: 16>, scalar_prefetch = 0 : i64, scratch_operands = 0 : i64, tpu.core_type = #tpu.core_type<tc>, window_params = [{transform_indices = @transform_0, window_bounds = array<i64: 512, 2048>}, {pipeline_mode = #tpu.pipeline_mode<synchronous>, transform_indices = @transform_1, window_bounds = array<i64: 2048, 1>}, {pipeline_mode = #tpu.pipeline_mode<synchronous>, transform_indices = @transform_2, window_bounds = array<i64: 1, 1>}, {transform_indices = @transform_3, window_bounds = array<i64: 512, 1>}]} {
    %get3A = arith.constant 0 : index
    %get3A_0 = arith.constant 0 : index
    %get3A_1 = vector.load %arg1[%get3A, %get3A_0] : memref<512x2048xf32, #tpu.memory_space<vmem>>, vector<512x2048xf32>
    %get3A_2 = arith.constant 0 : index
    %get3A_3 = arith.constant 0 : index
    %get3A_4 = vector.load %arg2[%get3A_2, %get3A_3] : memref<2048x1xf32, #tpu.memory_space<vmem>>, vector<2048x1xf32>
    %dot_general3A = arith.constant dense<0.000000e+00> : vector<512x1xf32>
    %dot_general3A_5 = tpu.matmul %get3A_1, %get3A_4, %dot_general3A {dimension_numbers = #tpu.dot_dimension_numbers<[1], [0], [0], [1], [0, 0, 1, 1], [], []>, transpose_lhs_hint = false} : vector<512x2048xf32>, vector<2048x1xf32>, vector<512x1xf32> -> vector<512x1xf32>
    %get3A_6 = arith.constant 0 : index
    %get3A_7 = arith.constant 0 : index
    %get3A_8 = vector.load %arg3[%get3A_6, %get3A_7] : memref<1x1xf32, #tpu.memory_space<vmem>>, vector<1x1xf32>
    %get3A_9 = vector.extract %get3A_8[0, 0] : f32 from vector<1x1xf32>
    %add3A = vector.broadcast %get3A_9 : f32 to vector<512x1xf32>
    %add3A_10 = arith.addf %dot_general3A_5, %add3A : vector<512x1xf32>
    %swap3A = arith.constant 0 : index
    %swap3A_11 = arith.constant 0 : index
    %swap3A_12 = vector.load %arg4[%swap3A, %swap3A_11] : memref<512x1xf32, #tpu.memory_space<vmem>>, vector<512x1xf32>
    tpu.vector_store %arg4[%swap3A, %swap3A_11], %add3A_10 {strides = array<i32>} : memref<512x1xf32, #tpu.memory_space<vmem>>, vector<512x1xf32>,
    return
  }
  func.func @transform_0(%arg0: i32) -> (i32, i32) {
    %c0_i32 = arith.constant 0 : i32
    %c0_i32_0 = arith.constant 0 : i32
    return %arg0, %c0_i32 : i32, i32
  }
  func.func @transform_1(%arg0: i32) -> (i32, i32) {
    %c0_i32 = arith.constant 0 : i32
    %c0_i32_0 = arith.constant 0 : i32
    %c0_i32_1 = arith.constant 0 : i32
    return %c0_i32, %c0_i32_0 : i32, i32
  }
  func.func @transform_2(%arg0: i32) -> (i32, i32) {
    %c0_i32 = arith.constant 0 : i32
    %c0_i32_0 = arith.constant 0 : i32
    %c0_i32_1 = arith.constant 0 : i32
    return %c0_i32, %c0_i32_0 : i32, i32
  }
  func.func @transform_3(%arg0: i32) -> (i32, i32) {
    %c0_i32 = arith.constant 0 : i32
    %c0_i32_0 = arith.constant 0 : i32
    return %arg0, %c0_i32 : i32, i32
  }
}

</mosaic_0001>

<sc_bundles>
// kernel: sparse-core-data-format-call.cloned.1.call-start
scs
called_computation_lowered:
.L_overlay_start_0:
0x0: {  	s2 =	sld [smem:$0x3FD9]  }
0x1: {  	s3 =	sld [smem:$0x3FFE];
	_ =	sdelay $0x1  }
0x2: {  	s1 =	srdreg.scid  }
0x3: {  	s0 =	sand.u32 $0x1, s1  }
0x4: {  	s18 =	sshll.u32 s0, $0xA;
	s2 =	sadd.s32 s3, s2  }
0x5: {  	s2 =	sadd.s32 s2, s18  }
0x6: {  	[smem:$0x3FC5] =	sst s2  }
0x7: {  	_ = 	snop  }
0x8: {  	s2 =	sld [smem:$0x3FC9];
	(tm) =	ssettm $0x1  }
0x9: {  	s19 =	sld [smem:$0x3FFB];
	_ =	sdelay $0x3  }
0xa: {  	_ =	strace s19  }
0xb: {  	s3 =	sld [smem:$0x3FFC];
	_ =	sdelay $0x3  }
0xc: {  	_ =	strace s3  }
0xd: {  	s3 =	sld [smem:$0x3FFD];
	_ =	sdelay $0x3  }
0xe: {  	_ =	strace s3  }
0xf: {  	_ =	strace $0x8FFFFFFF  }
0x10: {  	s20 =	sld [smem:$0x3FDB];
	_ =	sdelay $0x1  }
0x11: {  	s4 =	simm.s32 $_scs_section_size  }
0x12: {  	s5 =	simm.s32 $_size__tile_overlayer_lowered;
	s6 =	simm.s32 $_tile_overlayer_lowered  }
0x13: {  	s23 =	simm.s32 $0x1BFF;
	s22 =	sshll.u32 s6, $0x1;
	s3 =	sadd.s32 s4, s20  }
0x14: {  	s7 =	simm.s32 $0x0;
	s21 =	sshll.u32 s5, $0x1;
	s5 =	sadd.s32 s22, s3  }
0x15: {  	[timem:s7], [sflag:s23] =	dma.local [hbm:s5], s21  }
0x16: {  	_ =	swait.ge [sflag:s23], s21  }
0x17: {  	s4 =	ssub.s32 $0x0, s21;
	[sflag:s23] =	ssyncset.done $0x0  }
0x18: {  	[sflag:s23] =	ssyncadd.s32 s4;
	_ =	sdelay $0x1  }
0x19: {  	s24 =	simm.s32 $0x1B8B  }
0x1a: {  	_ =	swait.ge [sflag:s24], $0x1  }
0x1b: {  	[sflag:s24] =	ssyncset.done $0x0  }
0x1c: {  	s26 =	simm.s32 $0x1B8E;
	s25 =	sld [smem:$0x3FFE];
	[sflag:s24] =	ssyncadd.s32 $0xFFFFFFFF  }
0x1d: {  	s27 =	simm.s32 $execute0_lowered;
	[smem:$0x3FD2] =	sst s26  }
0x1e: {  	s5 =	sshll.u32 s27, $0x1;
	_ =	strace $0x80000046;
	[dreg:$0x1] =	wrdreg $0xFFFFFFFF  }
0x1f: {  	s28 =	simm.s32 $_size_execute0_lowered;
	s3 =	sadd.s32 s3, s5;
	[dreg:$0x0] =	wrdreg $0x0  }
0x20: {  	s5 =	sshll.u32 s28, $0x1;
	[dreg:$0x2] =	wrdreg s3  }
0x21: {  	[dreg:$0x3] =	wrdreg s5  }
0x22: {  	[dreg:$0x4] =	wrdreg $0xC0  }
0x23: {  	_ =	task [dreg:s7], $0x5FFFF  }
0x24: {  	[dreg:$0x1] =	wrdreg $0xFFFFFFFF  }
0x25: {  	[dreg:$0x0] =	wrdreg $0x60  }
0x26: {  	[dreg:$0x2] =	wrdreg s2  }
0x27: {  	[dreg:$0x3] =	wrdreg s25  }
0x28: {  	[dreg:$0x4] =	wrdreg $0x9  }
0x29: {  	_ =	task.clear_ibuf [dreg:s7], $0x5FFFF;
	_ =	strace $0x90000046  }
0x2a: {  	s29 =	simm.s32 $0x9;
	_ =	strace $0x80000048  }
0x2b: {  	_ =	swait.ge [sflag:s29], $0x1  }
0x2c: {  	[sflag:s29] =	ssyncadd.s32 $0xFFFFFFFF  }
0x2d: {  	_ =	strace $0x90000048  }
0x2e: {  	_ =	sfence  }
0x2f: {  	s30 =	sld [smem:$0x0];
	_ =	sdelay $0x2  }
0x30: {  	s31 =	sshll.u32 s1, $0xD;
	s1 =	sshrl.u32 s1, $0x2  }
0x31: {  	s3 =	sand.u32 $0x4000, s31;
	s1 =	sadd.s32 s1, s30  }
0x32: {  	s0 =	sor.u32 s3, s0;
	s1 =	sshll.u32 s1, $0x11  }
0x33: {  	s0 =	sor.u32 s1, s0  }
0x34: {  	s0 =	sadd.s32 $0x8F2B, s0  }
0x35: {  	[sflag:s0] =	ssyncadd.remote.s32 $0x1  }
0x36: {  	_ =	sfence.sel $0xFFFF  }
0x37: {  	[dreg:$0x0] =	wrdreg $0xFFFFFFFF;
	(pc) =	sbr.abs _section_cstart, $3  }
0x38: {  	[dreg:$0x1] =	wrdreg $0xFFFFFFFF  }
0x39: {  	_ =	task.clear_ibuf [dreg:s7], $0x2FFFF;
	_ =	strace $0x9FFFFFFF  }
0x3a: {  	(tm) =	ssettm $0x7FFFFFFF  }
0x3b: {  	_ =	shalt  }
tec
execute0_lowered:
.L_overlay_start_1:
0x0: {  	(tag) =	ssettag $0x1  }
0x1: {  	s0 =	srdreg.scid  }
0x2: {  	s1 =	sshll.u32 s0, $0x4  }
0x3: {  	s2 =	rddreg [dreg:$0x0];
	s0 =	stileid.u32;
	s1 =	sand.u32 $0x10, s1  }
0x4: {  	s4 =	rddreg [dreg:$0x1];
	s7 =	simm.s32 $0x1;
	s1 =	sor.u32 s0, s1  }
0x5: {  	s8 =	simm.s32 $0x2;
	s9 =	simm.s32 $0x0;
	s3 =	sshll.u32 s1, $0x3  }
0x6: {  	s12 =	simm.s32 $0x0;
	s11 =	simm.s32 $0x0;
	s6 =	ssub.s32 $0x2000, s3  }
.Ltmp0:
0x7: {  	s4 =	sadd.s32 $0x600, s4;
	s5 =	sand.u32 $0xF8, s6;
	(pc) =	sbr.rel .LBB1_1-.Ltmp0, $4  }
0x8: {  	s1 =	rddreg [dreg:$0x2];
	_ =	strace $0x80000047;
	p0 =	sne.s32 s5, $0x0  }
0x9: {  	s6 =	sshrl.u32 s6, $0x8;
	s5 =	simm.s32 $0x1;
	s7 =	simm.s32 @!p0 $0x0  }
0xa: {  	s10 =	smov.u32 s3;
	[sflag:s5] =	ssyncpa.u1 $0x0;
	s6 =	sadd.s32 s7, s6  }
0xb: {  	[sflag:s8] =	ssyncpa.u1 $0x0;
	s8 =	simm.s32 $0x0;
	s7 =	sadd.s32 $0x1, s6  }
.LBB1_7:
0xc: {  	s14 =	sadd.s32 $0x100, s10  }
0xd: {  	p1 =	sgt.s32 s14, $0x1FFF  }
0xe: {  	s14 =	smov.u32 @p1 s3;
	p1 =	sne.s32 s11, s7  }
.Ltmp1:
0xf: {  	p0 =	slt.u32 s11, $0x2;
	(pc) =	sbr.rel @!p1 .LBB1_8-.Ltmp1, $4  }
0x10: {  	s13 =	simm.s32 @!p0 $0x2  }
0x11: {  	s15 =	sadd.s32 $0x1, s11;
	_ =	swait.ge @!p0 [sflag:s13], $0x4000  }
0x12: {  	s12 =	smov.u32 s10;
	s9 =	sadd.s32 $0x4000, s9;
	[sflag:s13] =	ssyncset.done @!p0 $0x0  }
0x13: {  	s11 =	smov.u32 s15;
	s10 =	smov.u32 s14;
	[sflag:s13] =	ssyncadd.s32 @!p0 $0xFFFFC000  }
.LBB1_1:
0x14: {  	p0 =	sge.u32 s11, s6  }
0x15: {  	s13 =	sxor.u32 @!p0 $0xFFFFFFFF, s11  }
0x16: {  	s31 =	sadd.s32 $0xFFFFFFFF, s11;
	s14 =	sshll.u32 @!p0 s10, $0x8;
	s13 =	sshll.u32 @!p0 s13, $0xE  }
0x17: {  	s15 =	simm.s32 @!p0 $0x0;
	s14 =	sadd.s32 @!p0 s2, s14;
	s13 =	sand.u32 @!p0 $0x4000, s13  }
0x18: {  	[tilespmem:s13], [sflag:$0x1] =	stream.linear.gather @!p0 [hbm4b:s14+s15], $0x4000, $0x38;
	[tilespmem:$0x10000] =	vst v63  }
0x19: {  	p0 =	sge.u32 s31, s6  }
.Ltmp2:
0x1a: {  	_ = 	snop;
	(pc) =	sbr.rel @p0 .LBB1_7-.Ltmp2, $1  }
0x1b: {  	_ =	sdelay $0x3  }
0x1c: {  	s13 =	sand.u32 $0x4000, s9  }
0x1d: {  	_ =	swait.ge [sflag:s5], $0x4000;
	s16 =	sshll.u32 s11, $0xE;
	s14 =	sor.u32 $0x100, s13  }
0x1e: {  	s15 =	sor.u32 $0x8800, s13;
	[sflag:s5] =	ssyncset.done $0x0;
	s31 =	sand.u32 $0x4000, s16  }
0x1f: {  	s16 =	simm.s32 $0x0;
	[sflag:s5] =	ssyncadd.s32 $0xFFFFC000;
	s13 =	sor.u32 $0x8000, s31  }
.LBB1_3:
0x20: {  	v0 =	vld [tilespmem:s14+$0xF0]  }
0x21: {  	v1 =	vld [tilespmem:s14+$0xFFFFFF10]  }
0x22: {  	v2 =	vld [tilespmem:s14+$0xFFFFFF20]  }
0x23: {  	v3 =	vld [tilespmem:s14+$0xFFFFFF30]  }
0x24: {  	v4 =	vld [tilespmem:s14+$0xFFFFFF40]  }
0x25: {  	v5 =	vld [tilespmem:s14+$0xFFFFFF50];
	[tilespmem:s15+$0x470] =	vst v0  }
0x26: {  	[tilespmem:s15+$0xFFFFF810] =	vst v1;
	v0 =	vld [tilespmem:s14+$0xFFFFFF60]  }
0x27: {  	[tilespmem:s15+$0xFFFFF820] =	vst v2;
	v1 =	vld [tilespmem:s14+$0xFFFFFF70]  }
0x28: {  	[tilespmem:s15+$0xFFFFF830] =	vst v3;
	v2 =	vld [tilespmem:s14+$0xFFFFFF80]  }
0x29: {  	[tilespmem:s15+$0xFFFFF840] =	vst v4;
	v3 =	vld [tilespmem:s14+$0xFFFFFF90]  }
0x2a: {  	[tilespmem:s15+$0xFFFFF850] =	vst v5;
	v4 =	vld [tilespmem:s14+$0xFFFFFFA0]  }
0x2b: {  	v5 =	vld [tilespmem:s14+$0xA0];
	[tilespmem:s15+$0xFFFFF860] =	vst v0  }
0x2c: {  	v0 =	vld [tilespmem:s14+$0xFFFFFFB0];
	[tilespmem:s15+$0xFFFFF870] =	vst v1  }
0x2d: {  	v1 =	vld [tilespmem:s14+$0xFFFFFFC0];
	[tilespmem:s15+$0xFFFFFC00] =	vst v2  }
0x2e: {  	[tilespmem:s15+$0xFFFFFC10] =	vst v3;
	v3 =	vld [tilespmem:s14+$0xFFFFFFE0]  }
0x2f: {  	[tilespmem:s15+$0xFFFFFC20] =	vst v4;
	v4 =	vld [tilespmem:s14+$0xFFFFFFF0]  }
0x30: {  	v2 =	vld [tilespmem:s14+$0xFFFFFFD0];
	[tilespmem:s15+$0x420] =	vst v5  }
0x31: {  	[tilespmem:s15+$0xFFFFFC30] =	vst v0;
	v0 =	vld [tilespmem:s14+$0x0]  }
0x32: {  	[tilespmem:s15+$0xFFFFFC40] =	vst v1;
	v1 =	vld [tilespmem:s14+$0x10]  }
0x33: {  	[tilespmem:s15+$0xFFFFFC60] =	vst v3;
	v3 =	vld [tilespmem:s14+$0x30]  }
0x34: {  	[tilespmem:s15+$0xFFFFFC70] =	vst v4;
	v4 =	vld [tilespmem:s14+$0x40]  }
0x35: {  	[tilespmem:s15+$0xFFFFFC50] =	vst v2;
	v2 =	vld [tilespmem:s14+$0x20]  }
0x36: {  	[tilespmem:s15+$0x0] =	vst v0;
	v0 =	vld [tilespmem:s14+$0x50]  }
0x37: {  	[tilespmem:s15+$0x10] =	vst v1;
	v1 =	vld [tilespmem:s14+$0x60]  }
0x38: {  	[tilespmem:s15+$0x30] =	vst v3;
	v3 =	vld [tilespmem:s14+$0x80]  }
0x39: {  	[tilespmem:s15+$0x40] =	vst v4;
	v4 =	vld [tilespmem:s14+$0x90]  }
0x3a: {  	[tilespmem:s15+$0x20] =	vst v2;
	v2 =	vld [tilespmem:s14+$0x70]  }
0x3b: {  	[tilespmem:s15+$0x50] =	vst v0;
	v0 =	vld [tilespmem:s14+$0xB0]  }
0x3c: {  	[tilespmem:s15+$0x60] =	vst v1;
	v1 =	vld [tilespmem:s14+$0xC0]  }
0x3d: {  	[tilespmem:s15+$0x400] =	vst v3;
	v3 =	vld [tilespmem:s14+$0xD0]  }
0x3e: {  	[tilespmem:s15+$0x410] =	vst v4;
	v4 =	vld [tilespmem:s14+$0xE0]  }
0x3f: {  	s18 =	simm.s32 $0x0;
	s19 =	sadd.s32 $0x200, s14;
	s17 =	smov.u32 s15;
	[tilespmem:s15+$0x70] =	vst v2;
	v2 =	vld [tilespmem:s14+$0xFFFFFF00]  }
.LBB1_4:
0x40: {  	v5 =	vld [tilespmem:s19+$0xF0];
	s18 =	sadd.s32 $0x200, s18;
	[tilespmem:s17+$0x430] =	vst v0  }
0x41: {  	v0 =	vld [tilespmem:s19+$0xFFFFFF10];
	p0 =	slt.u32 s18, $0x600;
	[tilespmem:s17+$0x440] =	vst v1  }
0x42: {  	v1 =	vld [tilespmem:s19+$0xFFFFFF20];
	[tilespmem:s17+$0x450] =	vst v3  }
0x43: {  	v3 =	vld [tilespmem:s19+$0xFFFFFF30];
	[tilespmem:s17+$0x460] =	vst v4  }
0x44: {  	v4 =	vld [tilespmem:s19+$0xFFFFFF40];
	[tilespmem:s17+$0xFFFFF800] =	vst v2;
	s17 =	sadd.s32 $0x1000, s17  }
0x45: {  	v2 =	vld [tilespmem:s19+$0xFFFFFF50];
	[tilespmem:s17+$0x470] =	vst v5  }
0x46: {  	[tilespmem:s17+$0xFFFFF810] =	vst v0;
	v0 =	vld [tilespmem:s19+$0xFFFFFF60]  }
0x47: {  	[tilespmem:s17+$0xFFFFF820] =	vst v1;
	v1 =	vld [tilespmem:s19+$0xFFFFFF70]  }
0x48: {  	[tilespmem:s17+$0xFFFFF830] =	vst v3;
	v3 =	vld [tilespmem:s19+$0xFFFFFF80]  }
0x49: {  	[tilespmem:s17+$0xFFFFF840] =	vst v4;
	v4 =	vld [tilespmem:s19+$0xFFFFFF90]  }
0x4a: {  	[tilespmem:s17+$0xFFFFF850] =	vst v2;
	v2 =	vld [tilespmem:s19+$0xFFFFFFA0]  }
0x4b: {  	[tilespmem:s17+$0xFFFFF860] =	vst v0;
	v0 =	vld [tilespmem:s19+$0xFFFFFFB0]  }
0x4c: {  	[tilespmem:s17+$0xFFFFF870] =	vst v1;
	v1 =	vld [tilespmem:s19+$0xFFFFFFC0]  }
0x4d: {  	[tilespmem:s17+$0xFFFFFC00] =	vst v3;
	v3 =	vld [tilespmem:s19+$0xFFFFFFD0]  }
0x4e: {  	[tilespmem:s17+$0xFFFFFC10] =	vst v4;
	v4 =	vld [tilespmem:s19+$0xFFFFFFE0]  }
0x4f: {  	[tilespmem:s17+$0xFFFFFC20] =	vst v2;
	v2 =	vld [tilespmem:s19+$0xFFFFFFF0]  }
0x50: {  	[tilespmem:s17+$0xFFFFFC30] =	vst v0;
	v0 =	vld [tilespmem:s19+$0x0]  }
0x51: {  	[tilespmem:s17+$0xFFFFFC40] =	vst v1;
	v1 =	vld [tilespmem:s19+$0x10]  }
0x52: {  	[tilespmem:s17+$0xFFFFFC50] =	vst v3;
	v3 =	vld [tilespmem:s19+$0x20]  }
0x53: {  	[tilespmem:s17+$0xFFFFFC60] =	vst v4;
	v4 =	vld [tilespmem:s19+$0x30]  }
0x54: {  	[tilespmem:s17+$0xFFFFFC70] =	vst v2;
	v2 =	vld [tilespmem:s19+$0x40]  }
0x55: {  	[tilespmem:s17+$0x0] =	vst v0;
	v0 =	vld [tilespmem:s19+$0x50]  }
0x56: {  	[tilespmem:s17+$0x10] =	vst v1;
	v1 =	vld [tilespmem:s19+$0x60]  }
0x57: {  	[tilespmem:s17+$0x20] =	vst v3;
	v3 =	vld [tilespmem:s19+$0x70]  }
0x58: {  	[tilespmem:s17+$0x30] =	vst v4;
	v4 =	vld [tilespmem:s19+$0x80]  }
0x59: {  	[tilespmem:s17+$0x40] =	vst v2;
	v2 =	vld [tilespmem:s19+$0x90]  }
0x5a: {  	[tilespmem:s17+$0x50] =	vst v0;
	v5 =	vld [tilespmem:s19+$0xA0]  }
.Ltmp3:
0x5b: {  	[tilespmem:s17+$0x60] =	vst v1;
	v0 =	vld [tilespmem:s19+$0xB0];
	(pc) =	sbr.rel @p0 .LBB1_4-.Ltmp3, $4  }
0x5c: {  	[tilespmem:s17+$0x70] =	vst v3;
	v1 =	vld [tilespmem:s19+$0xC0]  }
0x5d: {  	[tilespmem:s17+$0x400] =	vst v4;
	v3 =	vld [tilespmem:s19+$0xD0]  }
0x5e: {  	[tilespmem:s17+$0x410] =	vst v2;
	v4 =	vld [tilespmem:s19+$0xE0]  }
0x5f: {  	v2 =	vld [tilespmem:s19+$0xFFFFFF00];
	[tilespmem:s17+$0x420] =	vst v5;
	s19 =	sadd.s32 $0x200, s19  }
0x60: {  	s16 =	sadd.s32 $0x1, s16  }
0x61: {  	p0 =	sne.s32 s16, $0x8  }
.Ltmp4:
0x62: {  	[tilespmem:s17+$0x430] =	vst v0;
	(pc) =	sbr.rel @p0 .LBB1_3-.Ltmp4, $4  }
0x63: {  	[tilespmem:s17+$0x440] =	vst v1  }
0x64: {  	[tilespmem:s17+$0x450] =	vst v3  }
0x65: {  	[tilespmem:s17+$0x460] =	vst v4  }
0x66: {  	s14 =	sadd.s32 $0x800, s14;
	s15 =	sadd.s32 $0x80, s15;
	[tilespmem:s17+$0xFFFFF800] =	vst v2  }
.Ltmp5:
0x67: {  	s14 =	sshll.u32 s12, $0x4;
	(pc) =	sbr.rel .LBB1_7-.Ltmp5, $4  }
0x68: {  	s31 =	sshll.u32 s12, $0x8;
	s14 =	sand.u32 $0x70, s14  }
0x69: {  	s12 =	sand.u32 $0x1FF800, s31;
	s14 =	sadd.s32 s4, s14  }
0x6a: {  	s12 =	sadd.s32 s12, s14  }
0x6b: {  	[hbm4b:s12+s8] =	stream.linear.scatter [tilespmem:s13], [sflag:$0x2], $0x4000, $0x38;
	[tilespmem:$0x10000] =	vst v63  }
.LBB1_8:
0x6c: {  	_ =	sfence.sel $0x180000  }
0x6d: {  	s2 =	simm.s32 $0x1;
	[bflag:$0x0] =	sbarrier.arrive $0xFFFF  }
0x6e: {  	s31 =	simm.s32 $0x2;
	[sflag:s2] =	ssyncpa.u1 $0x1  }
0x6f: {  	[sflag:s31] =	ssyncpa.u1 $0x1  }
0x70: {  	p0 =	sne.s32 s0, $0x0;
	_ =	strace $0x90000047  }
0x71: {  	s0 =	sadd.s32 @!p0 $0x100000, s1;
	[bflag:$0x2] =	sbarrier.arrive $0xFFFF  }
0x72: {  	[sflag:s0] =	ssyncadd.tile.s32 @!p0 $0x1;
	_ =	shalt  }
.Lfunc_end1:
_tile_overlayer_lowered:
.L_overlay_start_2:
0x73: {  	(tag) =	ssettag $0x2  }
0x74: {  	s0 =	rddreg [dreg:$0x0];
	s2 =	stileid.u32  }
0x75: {  	s1 =	rddreg [dreg:$0x1];
	p0 =	sne.s32 s2, $0x0  }
0x76: {  	s3 =	rddreg [dreg:$0x2];
	[bflag:$0x3] =	sbarrier.arrive $0xFFFF;
	s2 =	simm.s32 @!p0 $0x1C01  }
0x77: {  	[timem:s3], [sflag:s2] =	dma.local @!p0 [hbm:s0], s1  }
0x78: {  	s0 =	simm.s32 @!p0 $0x1  }
0x79: {  	_ =	swait.ge @!p0 [sflag:s0], s1  }
0x7a: {  	s1 =	ssub.s32 @!p0 $0x0, s1;
	[sflag:s0] =	ssyncset.done @!p0 $0x0  }
0x7b: {  	[sflag:s0] =	ssyncadd.s32 @!p0 s1  }
0x7c: {  	[bflag:$0x3] =	sbarrier.arrive $0xFFFF  }
0x7d: {  	_ =	shalt  }

</sc_bundles>
